<compile_context>
chip_gen: v7x
topology: tpu7x:2x2x1
jax: 0.10.2.dev20260603
libtpu: 0.0.44.dev20260713+nightly
codegen_flags: <defaults>
</compile_context>

<pallas_src>
import functools

import jax
import jax.numpy as jnp
from jax import lax
from jax.experimental import pallas as pl
from jax.experimental.pallas import tpu as pltpu
from jax.experimental.pallas import tpu_sc as plsc

B = 2
H = 512
W = 512
HW = H * W
FEAT_DIM = 96
EMBED_DIM = 64
MAX_SEG = 32

PIX_BLK = 32768

N_WORKERS = 32
CHUNK = B * HW // N_WORKERS
WORKERS_PER_B = N_WORKERS // B


def _sc_hist_body(lab_hbm, out_hbm, lab_v, cnt_v):
    wid = lax.axis_index("s") * 2 + lax.axis_index("c")
    base = wid * CHUNK
    pltpu.sync_copy(lab_hbm.at[pl.ds(base, CHUNK)], lab_v)
    cnt_v[pl.ds(0, 16)] = jnp.zeros((16,), jnp.float32)
    cnt_v[pl.ds(16, 16)] = jnp.zeros((16,), jnp.float32)
    ones = jnp.ones((16,), jnp.float32)

    @pl.loop(0, CHUNK // 16, unroll=8)
    def _count(i):
        lab = lab_v[pl.ds(i * 16, 16)]
        plsc.addupdate_scatter(cnt_v, [lab], ones)

    pltpu.sync_copy(cnt_v, out_hbm.at[wid])


def _sc_histogram(labels_flat):
    mesh = plsc.VectorSubcoreMesh(core_axis_name="c", subcore_axis_name="s")
    k = functools.partial(
        pl.kernel,
        mesh=mesh,
        out_type=jax.ShapeDtypeStruct((N_WORKERS, MAX_SEG), jnp.float32),
        scratch_types=[
            pltpu.VMEM((CHUNK,), jnp.int32),
            pltpu.VMEM((MAX_SEG,), jnp.float32),
        ],
        compiler_params=pltpu.CompilerParams(needs_layout_passes=False),
    )(_sc_hist_body)
    return k(labels_flat)


def _main_body(f_ref, l_ref, w1_ref, b1_ref, sums_ref):
    t = pl.program_id(1)

    @pl.when(t == 0)
    def _init():
        sums_ref[...] = jnp.zeros_like(sums_ref)

    x = f_ref[0].astype(jnp.bfloat16)
    w1 = w1_ref[...].astype(jnp.bfloat16)
    b1 = b1_ref[...]
    h = jax.lax.dot_general(w1, x, (((1,), (0,)), ((), ())),
                            preferred_element_type=jnp.float32)
    h = jnp.maximum(h + b1, 0.0).astype(jnp.bfloat16)

    lab = l_ref[0]
    sid = jax.lax.broadcasted_iota(jnp.int32, (MAX_SEG, PIX_BLK), 0)
    oh = (lab == sid).astype(jnp.bfloat16)

    sums_ref[0] += jax.lax.dot_general(h, oh, (((1,), (1,)), ((), ())),
                                       preferred_element_type=jnp.float32)


def _epilogue_body(sums_ref, hist_ref, table_ref, w2_ref, b2_ref, wout_ref,
                   bout_ref, out_ref):
    w2 = w2_ref[...]
    wout = wout_ref[...]
    wa = wout[:, :EMBED_DIM]
    wb = wout[:, EMBED_DIM:]
    b2 = b2_ref[...]
    bout = bout_ref[...]
    emb = table_ref[...][:MAX_SEG]

    hp = jnp.float32
    hi = jax.lax.Precision.HIGHEST
    g = jax.lax.dot_general(w2, wa, (((0,), (1,)), ((), ())),
                            preferred_element_type=hp, precision=hi)
    const = jax.lax.dot_general(wb, emb, (((1,), (1,)), ((), ())),
                                preferred_element_type=hp, precision=hi)
    const = const + jax.lax.dot_general(
        wa, b2, (((1,), (0,)), ((), ())), preferred_element_type=hp,
        precision=hi) + bout

    jj = jax.lax.broadcasted_iota(jnp.int32, (MAX_SEG, MAX_SEG), 0)
    ii = jax.lax.broadcasted_iota(jnp.int32, (MAX_SEG, MAX_SEG), 1)
    tri = (jj <= ii).astype(jnp.float32)
    dd = jax.lax.broadcasted_iota(jnp.int32, (MAX_SEG, MAX_SEG), 0)

    for bb in range(B):
        sums_b = sums_ref[bb]
        cnt = jnp.sum(
            hist_ref[bb * WORKERS_PER_B:(bb + 1) * WORKERS_PER_B],
            axis=0, keepdims=True)
        present = (cnt > 0.5).astype(jnp.float32)
        recip = 1.0 / jnp.maximum(cnt, 1.0)

        acc = jax.lax.dot_general(g, sums_b, (((0,), (0,)), ((), ())),
                                  preferred_element_type=hp, precision=hi)
        rows = acc * recip + const

        pos = jax.lax.dot_general(present, tri, (((1,), (0,)), ((), ())),
                                  preferred_element_type=hp, precision=hi)
        pos_i = pos.astype(jnp.int32) - 1
        perm = ((dd == pos_i) & (present > 0.5)).astype(jnp.float32)

        out_ref[bb] = jax.lax.dot_general(
            perm, rows, (((1,), (1,)), ((), ())),
            preferred_element_type=hp, precision=hi)


def kernel(segment_labels, features, seg_table, w1, b1, w2, b2, Wout, bout):
    feats = features.reshape(B, FEAT_DIM, HW)
    labels = segment_labels.reshape(B, 1, HW)
    b1c = b1.reshape(EMBED_DIM, 1)
    b2c = b2.reshape(EMBED_DIM, 1)
    boutc = bout.reshape(EMBED_DIM, 1)

    hist = _sc_histogram(segment_labels.reshape(B * HW))

    grid = (B, HW // PIX_BLK)
    sums = pl.pallas_call(
        _main_body,
        grid=grid,
        in_specs=[
            pl.BlockSpec((1, FEAT_DIM, PIX_BLK), lambda b, t: (b, 0, t)),
            pl.BlockSpec((1, 1, PIX_BLK), lambda b, t: (b, 0, t)),
            pl.BlockSpec((EMBED_DIM, FEAT_DIM), lambda b, t: (0, 0)),
            pl.BlockSpec((EMBED_DIM, 1), lambda b, t: (0, 0)),
        ],
        out_specs=pl.BlockSpec((1, EMBED_DIM, MAX_SEG), lambda b, t: (b, 0, 0)),
        out_shape=jax.ShapeDtypeStruct((B, EMBED_DIM, MAX_SEG), jnp.float32),
        compiler_params=pltpu.CompilerParams(
            dimension_semantics=("arbitrary", "arbitrary")),
    )(feats, labels, w1, b1c)

    sums, hist = jax.lax.optimization_barrier((sums, hist))

    out = pl.pallas_call(
        _epilogue_body,
        out_shape=jax.ShapeDtypeStruct((B, MAX_SEG, EMBED_DIM), jnp.float32),
    )(sums, hist, seg_table, w2, b2c, Wout, boutc)
    return out

# --- scband reference (transcript-rebuilt; emitter-appended) ---
"""Pipeline reference for scband-learned-segment-encoder-28939489640461 (READ-ONLY COPY).

The authoritative reference and input builder live on the scoring server;
editing this copy changes nothing except your own understanding.
"""

import jax, jax.numpy as jnp
import numpy as np

B = 2
H = 512
W = 512
FEAT_DIM = 96
EMBED_DIM = 64
MAX_SEG = 32


def setup_inputs(seed: int = 0) -> dict:
    key = jax.random.key(seed)
    ks = jax.random.split(key, 8)
    segment_labels = jax.random.randint(ks[0], (B, 1, H, W), 0, MAX_SEG, dtype=jnp.int32)
    features = jax.random.normal(ks[1], (B, FEAT_DIM, H, W), dtype=jnp.float32)
    seg_table = jax.random.normal(ks[2], (MAX_SEG + 1, EMBED_DIM), dtype=jnp.float32) * 0.02
    w1 = jax.random.normal(ks[3], (EMBED_DIM, FEAT_DIM), dtype=jnp.float32) * 0.05
    b1 = jnp.zeros((EMBED_DIM,), dtype=jnp.float32)
    w2 = jax.random.normal(ks[4], (EMBED_DIM, EMBED_DIM), dtype=jnp.float32) * 0.05
    b2 = jnp.zeros((EMBED_DIM,), dtype=jnp.float32)
    Wout = jax.random.normal(ks[5], (EMBED_DIM, 2 * EMBED_DIM), dtype=jnp.float32) * 0.05
    bout = jnp.zeros((EMBED_DIM,), dtype=jnp.float32)
    return {"segment_labels": segment_labels, "features": features, "seg_table": seg_table,
            "w1": w1, "b1": b1, "w2": w2, "b2": b2, "Wout": Wout, "bout": bout}


def reference(segment_labels, features, seg_table, w1, b1, w2, b2, Wout, bout):
    # feat_proj = Conv1x1 -> ReLU -> Conv1x1
    h = jnp.einsum('bchw,oc->bohw', features, w1) + b1[None, :, None, None]
    h = jax.nn.relu(h)
    feat_proj = jnp.einsum('bchw,oc->bohw', h, w2) + b2[None, :, None, None]

    embeddings_list = []
    for b in range(B):
        labels_b = segment_labels[b, 0]
        feat_b = feat_proj[b]

        def body(sid, carry):
            out, nfilled = carry
            mask = (labels_b == sid).astype(jnp.float32)
            count = jnp.sum(mask)
            mask_sum = jnp.clip(count, 1.0, None)
            feat_pooled = jnp.sum(feat_b * mask[None, :, :], axis=(1, 2)) / mask_sum
            type_embed = seg_table[jnp.clip(sid, 0, MAX_SEG)]
            combined = jnp.concatenate([feat_pooled, type_embed]) @ Wout.T + bout
            present = count > 0.0
            out = jnp.where(present, out.at[nfilled].set(combined), out)
            nfilled = nfilled + present.astype(jnp.int32)
            return (out, nfilled)

        out0 = jnp.zeros((MAX_SEG, EMBED_DIM), dtype=jnp.float32)
        out, _ = jax.lax.fori_loop(0, MAX_SEG, body, (out0, jnp.int32(0)))
        embeddings_list.append(out)
    return jnp.stack(embeddings_list)

if __name__ == "__main__":
    import jax
    _d = setup_inputs()
    print(jax.jit(kernel)(*tuple(_d.values())))

</pallas_src>

<mosaic_0001>
#map = affine_map<(d0, d1) -> (0)>
#map1 = affine_map<(d0, d1) -> (0, 0)>
module attributes {stable_mosaic.version = 14 : i64} {
  func.func @_sc_hist_body(%arg0: i32, %arg1: i32, %arg2: memref<524288xi32, #tpu.memory_space<hbm>>, %arg3: memref<32x32xf32, #tpu.memory_space<hbm>>, %arg4: memref<16384xi32, #tpu.memory_space<vmem>>, %arg5: memref<32xf32, #tpu.memory_space<vmem>>) attributes {dimension_semantics = [#tpu.dimension_semantics<core_parallel>, #tpu.dimension_semantics<subcore_parallel>], iteration_bounds = array<i64: 2, 16>, scalar_prefetch = 0 : i64, scratch_operands = 2 : i64, tpu.core_type = #tpu.core_type<sc_vector_subcore>, window_params = [{transform_indices = #map}, {transform_indices = #map1}]} {
    %mul3A = arith.constant 2 : i32
    %mul3A_0 = arith.muli %arg1, %mul3A : i32
    %add3A = arith.addi %mul3A_0, %arg0 : i32
    %mul3A_1 = arith.constant 16384 : i32
    %mul3A_2 = arith.muli %add3A, %mul3A_1 : i32
    "tpu.region"() ({
      %run_scoped3A = tpu.sem_alloc : memref<!tpu.dma_semaphore, #tpu.memory_space<semaphore_mem>>
      %dma_start3A = tpu.memref_slice %arg2[%mul3A_2] : memref<524288xi32, #tpu.memory_space<hbm>> -> memref<16384xi32, #tpu.memory_space<hbm>>
      %dma_start3A_15 = tpu.memref_slice %arg2[%mul3A_2] : memref<524288xi32, #tpu.memory_space<hbm>> -> memref<16384xi32, #tpu.memory_space<hbm>>
      tpu.enqueue_dma source(%dma_start3A_15 : memref<16384xi32, #tpu.memory_space<hbm>>) target(%arg4 : memref<16384xi32, #tpu.memory_space<vmem>>) target_semaphore(%run_scoped3A : memref<!tpu.dma_semaphore, #tpu.memory_space<semaphore_mem>>)
      %dma_wait3A = tpu.memref_slice %arg2[%mul3A_2] : memref<524288xi32, #tpu.memory_space<hbm>> -> memref<16384xi32, #tpu.memory_space<hbm>>
      %dma_wait3A_16 = tpu.memref_slice %arg2[%mul3A_2] : memref<524288xi32, #tpu.memory_space<hbm>> -> memref<16384xi32, #tpu.memory_space<hbm>>
      tpu.wait_dma2 semaphore(%run_scoped3A : memref<!tpu.dma_semaphore, #tpu.memory_space<semaphore_mem>>) src(%dma_wait3A_16 : memref<16384xi32, #tpu.memory_space<hbm>>) dst(%arg4 : memref<16384xi32, #tpu.memory_space<vmem>>)
      tpu.yield
    }) : () -> ()
    %broadcast_in_dim3A = arith.constant 0.000000e+00 : f32
    %broadcast_in_dim3A_3 = vector.broadcast %broadcast_in_dim3A : f32 to vector<16xf32>
    %swap3A = arith.constant 0 : index
    %swap3A_4 = tpu.vector_load %arg5[%swap3A] {strides = array<i32>} : memref<32xf32, #tpu.memory_space<vmem>>, vector<16xf32>,
    tpu.vector_store %arg5[%swap3A], %broadcast_in_dim3A_3 {strides = array<i32>} : memref<32xf32, #tpu.memory_space<vmem>>, vector<16xf32>,
    %broadcast_in_dim3A_5 = arith.constant 0.000000e+00 : f32
    %broadcast_in_dim3A_6 = vector.broadcast %broadcast_in_dim3A_5 : f32 to vector<16xf32>
    %swap3A_7 = arith.constant 16 : index
    %swap3A_8 = tpu.vector_load %arg5[%swap3A_7] {strides = array<i32>} : memref<32xf32, #tpu.memory_space<vmem>>, vector<16xf32>,
    tpu.vector_store %arg5[%swap3A_7], %broadcast_in_dim3A_6 {strides = array<i32>} : memref<32xf32, #tpu.memory_space<vmem>>, vector<16xf32>,
    %broadcast_in_dim3A_9 = arith.constant 1.000000e+00 : f32
    %broadcast_in_dim3A_10 = vector.broadcast %broadcast_in_dim3A_9 : f32 to vector<16xf32>
    %scan3A = arith.constant 0 : i32
    %scan3A_11 = arith.constant 1024 : i32
    %scan3A_12 = arith.addi %scan3A, %scan3A_11 : i32
    %scan3A_13 = arith.constant 8 : i32
    scf.for %scan3A_15 = %scan3A to %scan3A_12 step %scan3A_13  : i32 {
      %mul3A_16 = arith.constant 1 : i32
      %mul3A_17 = arith.muli %scan3A_15, %mul3A_16 : i32
      %add3A_18 = arith.constant 0 : i32
      %add3A_19 = arith.addi %add3A_18, %mul3A_17 : i32
      %mul3A_20 = arith.constant 16 : i32
      %mul3A_21 = arith.muli %add3A_19, %mul3A_20 : i32
      %get3A = arith.index_cast %mul3A_21 : i32 to index
      %get3A_22 = tpu.vector_load %arg4[%get3A] {strides = array<i32>} : memref<16384xi32, #tpu.memory_space<vmem>>, vector<16xi32>,
      tpu.vector_store_idx %arg5[%get3A_22], %broadcast_in_dim3A_10 {add = true} : memref<32xf32, #tpu.memory_space<vmem>>[vector<16xi32>], vector<16xf32>,
      %scan3A_23 = arith.constant 1 : i32
      %scan3A_24 = arith.addi %scan3A_15, %scan3A_23 : i32
      %mul3A_25 = arith.constant 1 : i32
      %mul3A_26 = arith.muli %scan3A_24, %mul3A_25 : i32
      %add3A_27 = arith.constant 0 : i32
      %add3A_28 = arith.addi %add3A_27, %mul3A_26 : i32
      %mul3A_29 = arith.constant 16 : i32
      %mul3A_30 = arith.muli %add3A_28, %mul3A_29 : i32
      %get3A_31 = arith.index_cast %mul3A_30 : i32 to index
      %get3A_32 = tpu.vector_load %arg4[%get3A_31] {strides = array<i32>} : memref<16384xi32, #tpu.memory_space<vmem>>, vector<16xi32>,
      tpu.vector_store_idx %arg5[%get3A_32], %broadcast_in_dim3A_10 {add = true} : memref<32xf32, #tpu.memory_space<vmem>>[vector<16xi32>], vector<16xf32>,
      %scan3A_33 = arith.constant 2 : i32
      %scan3A_34 = arith.addi %scan3A_15, %scan3A_33 : i32
      %mul3A_35 = arith.constant 1 : i32
      %mul3A_36 = arith.muli %scan3A_34, %mul3A_35 : i32
      %add3A_37 = arith.constant 0 : i32
      %add3A_38 = arith.addi %add3A_37, %mul3A_36 : i32
      %mul3A_39 = arith.constant 16 : i32
      %mul3A_40 = arith.muli %add3A_38, %mul3A_39 : i32
      %get3A_41 = arith.index_cast %mul3A_40 : i32 to index
      %get3A_42 = tpu.vector_load %arg4[%get3A_41] {strides = array<i32>} : memref<16384xi32, #tpu.memory_space<vmem>>, vector<16xi32>,
      tpu.vector_store_idx %arg5[%get3A_42], %broadcast_in_dim3A_10 {add = true} : memref<32xf32, #tpu.memory_space<vmem>>[vector<16xi32>], vector<16xf32>,
      %scan3A_43 = arith.constant 3 : i32
      %scan3A_44 = arith.addi %scan3A_15, %scan3A_43 : i32
      %mul3A_45 = arith.constant 1 : i32
      %mul3A_46 = arith.muli %scan3A_44, %mul3A_45 : i32
      %add3A_47 = arith.constant 0 : i32
      %add3A_48 = arith.addi %add3A_47, %mul3A_46 : i32
      %mul3A_49 = arith.constant 16 : i32
      %mul3A_50 = arith.muli %add3A_48, %mul3A_49 : i32
      %get3A_51 = arith.index_cast %mul3A_50 : i32 to index
      %get3A_52 = tpu.vector_load %arg4[%get3A_51] {strides = array<i32>} : memref<16384xi32, #tpu.memory_space<vmem>>, vector<16xi32>,
      tpu.vector_store_idx %arg5[%get3A_52], %broadcast_in_dim3A_10 {add = true} : memref<32xf32, #tpu.memory_space<vmem>>[vector<16xi32>], vector<16xf32>,
      %scan3A_53 = arith.constant 4 : i32
      %scan3A_54 = arith.addi %scan3A_15, %scan3A_53 : i32
      %mul3A_55 = arith.constant 1 : i32
      %mul3A_56 = arith.muli %scan3A_54, %mul3A_55 : i32
      %add3A_57 = arith.constant 0 : i32
      %add3A_58 = arith.addi %add3A_57, %mul3A_56 : i32
      %mul3A_59 = arith.constant 16 : i32
      %mul3A_60 = arith.muli %add3A_58, %mul3A_59 : i32
      %get3A_61 = arith.index_cast %mul3A_60 : i32 to index
      %get3A_62 = tpu.vector_load %arg4[%get3A_61] {strides = array<i32>} : memref<16384xi32, #tpu.memory_space<vmem>>, vector<16xi32>,
      tpu.vector_store_idx %arg5[%get3A_62], %broadcast_in_dim3A_10 {add = true} : memref<32xf32, #tpu.memory_space<vmem>>[vector<16xi32>], vector<16xf32>,
      %scan3A_63 = arith.constant 5 : i32
      %scan3A_64 = arith.addi %scan3A_15, %scan3A_63 : i32
      %mul3A_65 = arith.constant 1 : i32
      %mul3A_66 = arith.muli %scan3A_64, %mul3A_65 : i32
      %add3A_67 = arith.constant 0 : i32
      %add3A_68 = arith.addi %add3A_67, %mul3A_66 : i32
      %mul3A_69 = arith.constant 16 : i32
      %mul3A_70 = arith.muli %add3A_68, %mul3A_69 : i32
      %get3A_71 = arith.index_cast %mul3A_70 : i32 to index
      %get3A_72 = tpu.vector_load %arg4[%get3A_71] {strides = array<i32>} : memref<16384xi32, #tpu.memory_space<vmem>>, vector<16xi32>,
      tpu.vector_store_idx %arg5[%get3A_72], %broadcast_in_dim3A_10 {add = true} : memref<32xf32, #tpu.memory_space<vmem>>[vector<16xi32>], vector<16xf32>,
      %scan3A_73 = arith.constant 6 : i32
      %scan3A_74 = arith.addi %scan3A_15, %scan3A_73 : i32
      %mul3A_75 = arith.constant 1 : i32
      %mul3A_76 = arith.muli %scan3A_74, %mul3A_75 : i32
      %add3A_77 = arith.constant 0 : i32
      %add3A_78 = arith.addi %add3A_77, %mul3A_76 : i32
      %mul3A_79 = arith.constant 16 : i32
      %mul3A_80 = arith.muli %add3A_78, %mul3A_79 : i32
      %get3A_81 = arith.index_cast %mul3A_80 : i32 to index
      %get3A_82 = tpu.vector_load %arg4[%get3A_81] {strides = array<i32>} : memref<16384xi32, #tpu.memory_space<vmem>>, vector<16xi32>,
      tpu.vector_store_idx %arg5[%get3A_82], %broadcast_in_dim3A_10 {add = true} : memref<32xf32, #tpu.memory_space<vmem>>[vector<16xi32>], vector<16xf32>,
      %scan3A_83 = arith.constant 7 : i32
      %scan3A_84 = arith.addi %scan3A_15, %scan3A_83 : i32
      %mul3A_85 = arith.constant 1 : i32
      %mul3A_86 = arith.muli %scan3A_84, %mul3A_85 : i32
      %add3A_87 = arith.constant 0 : i32
      %add3A_88 = arith.addi %add3A_87, %mul3A_86 : i32
      %mul3A_89 = arith.constant 16 : i32
      %mul3A_90 = arith.muli %add3A_88, %mul3A_89 : i32
      %get3A_91 = arith.index_cast %mul3A_90 : i32 to index
      %get3A_92 = tpu.vector_load %arg4[%get3A_91] {strides = array<i32>} : memref<16384xi32, #tpu.memory_space<vmem>>, vector<16xi32>,
      tpu.vector_store_idx %arg5[%get3A_92], %broadcast_in_dim3A_10 {add = true} : memref<32xf32, #tpu.memory_space<vmem>>[vector<16xi32>], vector<16xf32>,
    }
    %scan3A_14 = arith.constant 1024 : i32
    "tpu.region"() ({
      %run_scoped3A = tpu.sem_alloc : memref<!tpu.dma_semaphore, #tpu.memory_space<semaphore_mem>>
      %dma_start3A = arith.constant 0 : i32
      %dma_start3A_15 = tpu.memref_slice %arg3[%add3A, %dma_start3A] : memref<32x32xf32, #tpu.memory_space<hbm>> -> memref<1x32xf32, #tpu.memory_space<hbm>>
      %dma_start3A_16 = tpu.memref_squeeze %dma_start3A_15 : memref<1x32xf32, #tpu.memory_space<hbm>> -> memref<32xf32, #tpu.memory_space<hbm>>
      %dma_start3A_17 = arith.constant 0 : i32
      %dma_start3A_18 = tpu.memref_slice %arg3[%add3A, %dma_start3A_17] : memref<32x32xf32, #tpu.memory_space<hbm>> -> memref<1x32xf32, #tpu.memory_space<hbm>>
      %dma_start3A_19 = tpu.memref_squeeze %dma_start3A_18 : memref<1x32xf32, #tpu.memory_space<hbm>> -> memref<32xf32, #tpu.memory_space<hbm>>
      tpu.enqueue_dma source(%arg5 : memref<32xf32, #tpu.memory_space<vmem>>) target(%dma_start3A_19 : memref<32xf32, #tpu.memory_space<hbm>>) target_semaphore(%run_scoped3A : memref<!tpu.dma_semaphore, #tpu.memory_space<semaphore_mem>>)
      %dma_wait3A = arith.constant 0 : i32
      %dma_wait3A_20 = tpu.memref_slice %arg3[%add3A, %dma_wait3A] : memref<32x32xf32, #tpu.memory_space<hbm>> -> memref<1x32xf32, #tpu.memory_space<hbm>>
      %dma_wait3A_21 = tpu.memref_squeeze %dma_wait3A_20 : memref<1x32xf32, #tpu.memory_space<hbm>> -> memref<32xf32, #tpu.memory_space<hbm>>
      %dma_wait3A_22 = arith.constant 0 : i32
      %dma_wait3A_23 = tpu.memref_slice %arg3[%add3A, %dma_wait3A_22] : memref<32x32xf32, #tpu.memory_space<hbm>> -> memref<1x32xf32, #tpu.memory_space<hbm>>
      %dma_wait3A_24 = tpu.memref_squeeze %dma_wait3A_23 : memref<1x32xf32, #tpu.memory_space<hbm>> -> memref<32xf32, #tpu.memory_space<hbm>>
      tpu.wait_dma2 semaphore(%run_scoped3A : memref<!tpu.dma_semaphore, #tpu.memory_space<semaphore_mem>>) src(%arg5 : memref<32xf32, #tpu.memory_space<vmem>>) dst(%dma_wait3A_24 : memref<32xf32, #tpu.memory_space<hbm>>)
      tpu.yield
    }) : () -> ()
    return
  }
}

module attributes {stable_mosaic.version = 14 : i64} {
  func.func @_main_body(%arg0: i32, %arg1: i32, %arg2: memref<1x96x32768xf32, #tpu.memory_space<vmem>>, %arg3: memref<1x1x32768xi32, #tpu.memory_space<vmem>>, %arg4: memref<64x96xf32, #tpu.memory_space<vmem>>, %arg5: memref<64x1xf32, #tpu.memory_space<vmem>>, %arg6: memref<1x64x32xf32, #tpu.memory_space<vmem>>) attributes {dimension_semantics = [#tpu.dimension_semantics<arbitrary>, #tpu.dimension_semantics<arbitrary>], iteration_bounds = array<i64: 2, 8>, scalar_prefetch = 0 : i64, scratch_operands = 0 : i64, tpu.core_type = #tpu.core_type<tc>, window_params = [{transform_indices = @transform_0, window_bounds = array<i64: 1, 96, 32768>}, {transform_indices = @transform_1, window_bounds = array<i64: 1, 1, 32768>}, {pipeline_mode = #tpu.pipeline_mode<synchronous>, transform_indices = @transform_2, window_bounds = array<i64: 64, 96>}, {pipeline_mode = #tpu.pipeline_mode<synchronous>, transform_indices = @transform_3, window_bounds = array<i64: 64, 1>}, {transform_indices = @transform_4, window_bounds = array<i64: 1, 64, 32>}]} {
    %eq3A = arith.constant 0 : i32
    %eq3A_0 = arith.cmpi eq, %arg1, %eq3A : i32
    %convert_element_type3A = arith.extui %eq3A_0 : i1 to i32
    %cond3A = arith.constant 0 : i32
    %cond3A_1 = arith.cmpi ne, %convert_element_type3A, %cond3A : i32
    scf.if %cond3A_1 {
      %broadcast_in_dim3A = arith.constant 0.000000e+00 : f32
      %broadcast_in_dim3A_42 = vector.broadcast %broadcast_in_dim3A : f32 to vector<1x64x32xf32>
      %swap3A_43 = arith.constant 0 : index
      %swap3A_44 = arith.constant 0 : index
      %swap3A_45 = arith.constant 0 : index
      %swap3A_46 = vector.load %arg6[%swap3A_43, %swap3A_44, %swap3A_45] : memref<1x64x32xf32, #tpu.memory_space<vmem>>, vector<1x64x32xf32>
      tpu.vector_store %arg6[%swap3A_43, %swap3A_44, %swap3A_45], %broadcast_in_dim3A_42 {strides = array<i32>} : memref<1x64x32xf32, #tpu.memory_space<vmem>>, vector<1x64x32xf32>,
    } else {
    }
    %get3A = arith.constant 0 : index
    %get3A_2 = arith.constant 0 : index
    %get3A_3 = arith.constant 0 : index
    %get3A_4 = vector.load %arg2[%get3A, %get3A_2, %get3A_3] : memref<1x96x32768xf32, #tpu.memory_space<vmem>>, vector<1x96x32768xf32>
    %get3A_5 = vector.shape_cast %get3A_4 : vector<1x96x32768xf32> to vector<96x32768xf32>
    %convert_element_type3A_6 = arith.truncf %get3A_5 : vector<96x32768xf32> to vector<96x32768xbf16>
    %get3A_7 = arith.constant 0 : index
    %get3A_8 = arith.constant 0 : index
    %get3A_9 = vector.load %arg4[%get3A_7, %get3A_8] : memref<64x96xf32, #tpu.memory_space<vmem>>, vector<64x96xf32>
    %convert_element_type3A_10 = arith.truncf %get3A_9 : vector<64x96xf32> to vector<64x96xbf16>
    %get3A_11 = arith.constant 0 : index
    %get3A_12 = arith.constant 0 : index
    %get3A_13 = vector.load %arg5[%get3A_11, %get3A_12] : memref<64x1xf32, #tpu.memory_space<vmem>>, vector<64x1xf32>
    %dot_general3A = arith.constant dense<0.000000e+00> : vector<64x32768xf32>
    %dot_general3A_14 = tpu.matmul %convert_element_type3A_10, %convert_element_type3A_6, %dot_general3A {dimension_numbers = #tpu.dot_dimension_numbers<[1], [0], [0], [1], [0, 0, 1, 1], [], []>, transpose_lhs_hint = false} : vector<64x96xbf16>, vector<96x32768xbf16>, vector<64x32768xf32> -> vector<64x32768xf32>
    %add3A = vector.broadcast %get3A_13 : vector<64x1xf32> to vector<64x32768xf32>
    %add3A_15 = arith.addf %dot_general3A_14, %add3A : vector<64x32768xf32>
    %max3A = arith.constant 0.000000e+00 : f32
    %max3A_16 = vector.broadcast %max3A : f32 to vector<64x32768xf32>
    %max3A_17 = arith.maximumf %add3A_15, %max3A_16 : vector<64x32768xf32>
    %convert_element_type3A_18 = arith.truncf %max3A_17 : vector<64x32768xf32> to vector<64x32768xbf16>
    %get3A_19 = arith.constant 0 : index
    %get3A_20 = arith.constant 0 : index
    %get3A_21 = arith.constant 0 : index
    %get3A_22 = vector.load %arg3[%get3A_19, %get3A_20, %get3A_21] : memref<1x1x32768xi32, #tpu.memory_space<vmem>>, vector<1x1x32768xi32>
    %get3A_23 = vector.shape_cast %get3A_22 : vector<1x1x32768xi32> to vector<1x32768xi32>
    %iota3A = tpu.iota {dimensions = array<i32: 0>} : vector<32x32768xi32>
    %eq3A_24 = vector.broadcast %get3A_23 : vector<1x32768xi32> to vector<32x32768xi32>
    %eq3A_25 = arith.cmpi eq, %eq3A_24, %iota3A : vector<32x32768xi32>
    %convert_element_type3A_26 = arith.extui %eq3A_25 : vector<32x32768xi1> to vector<32x32768xi32>
    %convert_element_type3A_27 = arith.sitofp %convert_element_type3A_26 : vector<32x32768xi32> to vector<32x32768xf32>
    %convert_element_type3A_28 = arith.truncf %convert_element_type3A_27 : vector<32x32768xf32> to vector<32x32768xbf16>
    %get3A_29 = arith.constant 0 : index
    %get3A_30 = arith.constant 0 : index
    %get3A_31 = arith.constant 0 : index
    %get3A_32 = vector.load %arg6[%get3A_29, %get3A_30, %get3A_31] : memref<1x64x32xf32, #tpu.memory_space<vmem>>, vector<1x64x32xf32>
    %get3A_33 = vector.shape_cast %get3A_32 : vector<1x64x32xf32> to vector<64x32xf32>
    %dot_general3A_34 = arith.constant dense<0.000000e+00> : vector<64x32xf32>
    %dot_general3A_35 = tpu.matmul %convert_element_type3A_18, %convert_element_type3A_28, %dot_general3A_34 {dimension_numbers = #tpu.dot_dimension_numbers<[1], [1], [0], [0], [0, 0, 1, 0], [], []>, transpose_lhs_hint = false} : vector<64x32768xbf16>, vector<32x32768xbf16>, vector<64x32xf32> -> vector<64x32xf32>
    %add3A_36 = arith.addf %get3A_33, %dot_general3A_35 : vector<64x32xf32>
    %swap3A = arith.constant 0 : index
    %swap3A_37 = arith.constant 0 : index
    %swap3A_38 = arith.constant 0 : index
    %swap3A_39 = vector.load %arg6[%swap3A, %swap3A_37, %swap3A_38] : memref<1x64x32xf32, #tpu.memory_space<vmem>>, vector<1x64x32xf32>
    %swap3A_40 = vector.shape_cast %swap3A_39 : vector<1x64x32xf32> to vector<64x32xf32>
    %swap3A_41 = vector.shape_cast %add3A_36 : vector<64x32xf32> to vector<1x64x32xf32>
    tpu.vector_store %arg6[%swap3A, %swap3A_37, %swap3A_38], %swap3A_41 {strides = array<i32>} : memref<1x64x32xf32, #tpu.memory_space<vmem>>, vector<1x64x32xf32>,
    return
  }
  func.func @transform_0(%arg0: i32, %arg1: i32) -> (i32, i32, i32) {
    %c0_i32 = arith.constant 0 : i32
    %c0_i32_0 = arith.constant 0 : i32
    return %arg0, %c0_i32, %arg1 : i32, i32, i32
  }
  func.func @transform_1(%arg0: i32, %arg1: i32) -> (i32, i32, i32) {
    %c0_i32 = arith.constant 0 : i32
    %c0_i32_0 = arith.constant 0 : i32
    return %arg0, %c0_i32, %arg1 : i32, i32, i32
  }
  func.func @transform_2(%arg0: i32, %arg1: i32) -> (i32, i32) {
    %c0_i32 = arith.constant 0 : i32
    %c0_i32_0 = arith.constant 0 : i32
    %c0_i32_1 = arith.constant 0 : i32
    return %c0_i32, %c0_i32_0 : i32, i32
  }
  func.func @transform_3(%arg0: i32, %arg1: i32) -> (i32, i32) {
    %c0_i32 = arith.constant 0 : i32
    %c0_i32_0 = arith.constant 0 : i32
    %c0_i32_1 = arith.constant 0 : i32
    return %c0_i32, %c0_i32_0 : i32, i32
  }
  func.func @transform_4(%arg0: i32, %arg1: i32) -> (i32, i32, i32) {
    %c0_i32 = arith.constant 0 : i32
    %c0_i32_0 = arith.constant 0 : i32
    %c0_i32_1 = arith.constant 0 : i32
    return %arg0, %c0_i32, %c0_i32_0 : i32, i32, i32
  }
}

module attributes {stable_mosaic.version = 14 : i64} {
  func.func @_epilogue_body(%arg0: memref<2x64x32xf32, #tpu.memory_space<vmem>>, %arg1: memref<32x32xf32, #tpu.memory_space<vmem>>, %arg2: memref<33x64xf32, #tpu.memory_space<vmem>>, %arg3: memref<64x64xf32, #tpu.memory_space<vmem>>, %arg4: memref<64x1xf32, #tpu.memory_space<vmem>>, %arg5: memref<64x128xf32, #tpu.memory_space<vmem>>, %arg6: memref<64x1xf32, #tpu.memory_space<vmem>>, %arg7: memref<2x32x64xf32, #tpu.memory_space<vmem>>) attributes {dimension_semantics = [], scalar_prefetch = 0 : i64, scratch_operands = 0 : i64, tpu.core_type = #tpu.core_type<tc>} {
    %get3A = arith.constant 0 : index
    %get3A_0 = arith.constant 0 : index
    %get3A_1 = vector.load %arg3[%get3A, %get3A_0] : memref<64x64xf32, #tpu.memory_space<vmem>>, vector<64x64xf32>
    %get3A_2 = arith.constant 0 : index
    %get3A_3 = arith.constant 0 : index
    %get3A_4 = vector.load %arg5[%get3A_2, %get3A_3] : memref<64x128xf32, #tpu.memory_space<vmem>>, vector<64x128xf32>
    %slice3A = vector.extract_strided_slice %get3A_4 {offsets = [0, 0], sizes = [64, 64], strides = [1, 1]} : vector<64x128xf32> to vector<64x64xf32>
    %slice3A_5 = vector.extract_strided_slice %get3A_4 {offsets = [0, 64], sizes = [64, 64], strides = [1, 1]} : vector<64x128xf32> to vector<64x64xf32>
    %get3A_6 = arith.constant 0 : index
    %get3A_7 = arith.constant 0 : index
    %get3A_8 = vector.load %arg4[%get3A_6, %get3A_7] : memref<64x1xf32, #tpu.memory_space<vmem>>, vector<64x1xf32>
    %get3A_9 = arith.constant 0 : index
    %get3A_10 = arith.constant 0 : index
    %get3A_11 = vector.load %arg6[%get3A_9, %get3A_10] : memref<64x1xf32, #tpu.memory_space<vmem>>, vector<64x1xf32>
    %get3A_12 = arith.constant 0 : index
    %get3A_13 = arith.constant 0 : index
    %get3A_14 = vector.load %arg2[%get3A_12, %get3A_13] : memref<33x64xf32, #tpu.memory_space<vmem>>, vector<33x64xf32>
    %slice3A_15 = vector.extract_strided_slice %get3A_14 {offsets = [0, 0], sizes = [32, 64], strides = [1, 1]} : vector<33x64xf32> to vector<32x64xf32>
    %dot_general3A = arith.constant dense<0.000000e+00> : vector<64x64xf32>
    %dot_general3A_16 = tpu.matmul %get3A_1, %slice3A, %dot_general3A {dimension_numbers = #tpu.dot_dimension_numbers<[0], [1], [1], [0], [0, 1, 1, 0], [], []>, precision = #tpu.contract_precision<fp32>, transpose_lhs_hint = false} : vector<64x64xf32>, vector<64x64xf32>, vector<64x64xf32> -> vector<64x64xf32>
    %dot_general3A_17 = arith.constant dense<0.000000e+00> : vector<64x32xf32>
    %dot_general3A_18 = tpu.matmul %slice3A_5, %slice3A_15, %dot_general3A_17 {dimension_numbers = #tpu.dot_dimension_numbers<[1], [1], [0], [0], [0, 0, 1, 0], [], []>, precision = #tpu.contract_precision<fp32>, transpose_lhs_hint = false} : vector<64x64xf32>, vector<32x64xf32>, vector<64x32xf32> -> vector<64x32xf32>
    %dot_general3A_19 = arith.constant dense<0.000000e+00> : vector<64x1xf32>
    %dot_general3A_20 = tpu.matmul %slice3A, %get3A_8, %dot_general3A_19 {dimension_numbers = #tpu.dot_dimension_numbers<[1], [0], [0], [1], [0, 0, 1, 1], [], []>, precision = #tpu.contract_precision<fp32>, transpose_lhs_hint = false} : vector<64x64xf32>, vector<64x1xf32>, vector<64x1xf32> -> vector<64x1xf32>
    %add3A = vector.broadcast %dot_general3A_20 : vector<64x1xf32> to vector<64x32xf32>
    %add3A_21 = arith.addf %dot_general3A_18, %add3A : vector<64x32xf32>
    %add3A_22 = vector.broadcast %get3A_11 : vector<64x1xf32> to vector<64x32xf32>
    %add3A_23 = arith.addf %add3A_21, %add3A_22 : vector<64x32xf32>
    %iota3A = tpu.iota {dimensions = array<i32: 0>} : vector<32x32xi32>
    %iota3A_24 = tpu.iota {dimensions = array<i32: 1>} : vector<32x32xi32>
    %le3A = arith.cmpi sle, %iota3A, %iota3A_24 : vector<32x32xi32>
    %convert_element_type3A = arith.extui %le3A : vector<32x32xi1> to vector<32x32xi32>
    %convert_element_type3A_25 = arith.sitofp %convert_element_type3A : vector<32x32xi32> to vector<32x32xf32>
    %iota3A_26 = tpu.iota {dimensions = array<i32: 0>} : vector<32x32xi32>
    %get3A_27 = arith.constant 0 : index
    %get3A_28 = arith.constant 0 : index
    %get3A_29 = arith.constant 0 : index
    %get3A_30 = vector.load %arg0[%get3A_27, %get3A_28, %get3A_29] : memref<2x64x32xf32, #tpu.memory_space<vmem>>, vector<1x64x32xf32>
    %get3A_31 = vector.shape_cast %get3A_30 : vector<1x64x32xf32> to vector<64x32xf32>
    %get3A_32 = arith.constant 0 : index
    %get3A_33 = arith.constant 0 : index
    %get3A_34 = vector.load %arg1[%get3A_32, %get3A_33] : memref<32x32xf32, #tpu.memory_space<vmem>>, vector<16x32xf32>
    %reduce_sum3A = arith.constant dense<0.000000e+00> : vector<32xf32>
    %reduce_sum3A_35 = vector.multi_reduction <add>, %get3A_34, %reduce_sum3A [0] : vector<16x32xf32> to vector<32xf32>
    %broadcast_in_dim3A = vector.shape_cast %reduce_sum3A_35 : vector<32xf32> to vector<1x32xf32>
    %gt3A = arith.constant 5.000000e-01 : f32
    %gt3A_36 = vector.broadcast %gt3A : f32 to vector<1x32xf32>
    %gt3A_37 = arith.cmpf ogt, %broadcast_in_dim3A, %gt3A_36 : vector<1x32xf32>
    %convert_element_type3A_38 = arith.extui %gt3A_37 : vector<1x32xi1> to vector<1x32xi32>
    %convert_element_type3A_39 = arith.sitofp %convert_element_type3A_38 : vector<1x32xi32> to vector<1x32xf32>
    %max3A = arith.constant 1.000000e+00 : f32
    %max3A_40 = vector.broadcast %max3A : f32 to vector<1x32xf32>
    %max3A_41 = arith.maximumf %broadcast_in_dim3A, %max3A_40 : vector<1x32xf32>
    %div3A = arith.constant 1.000000e+00 : f32
    %div3A_42 = vector.broadcast %div3A : f32 to vector<1x32xf32>
    %div3A_43 = arith.divf %div3A_42, %max3A_41 : vector<1x32xf32>
    %dot_general3A_44 = arith.constant dense<0.000000e+00> : vector<64x32xf32>
    %dot_general3A_45 = tpu.matmul %dot_general3A_16, %get3A_31, %dot_general3A_44 {dimension_numbers = #tpu.dot_dimension_numbers<[0], [0], [1], [1], [0, 1, 1, 1], [], []>, precision = #tpu.contract_precision<fp32>, transpose_lhs_hint = false} : vector<64x64xf32>, vector<64x32xf32>, vector<64x32xf32> -> vector<64x32xf32>
    %mul3A = vector.broadcast %div3A_43 : vector<1x32xf32> to vector<64x32xf32>
    %mul3A_46 = arith.mulf %dot_general3A_45, %mul3A : vector<64x32xf32>
    %add3A_47 = arith.addf %mul3A_46, %add3A_23 : vector<64x32xf32>
    %dot_general3A_48 = arith.constant dense<0.000000e+00> : vector<1x32xf32>
    %dot_general3A_49 = tpu.matmul %convert_element_type3A_39, %convert_element_type3A_25, %dot_general3A_48 {dimension_numbers = #tpu.dot_dimension_numbers<[1], [0], [0], [1], [0, 0, 1, 1], [], []>, precision = #tpu.contract_precision<fp32>, transpose_lhs_hint = false} : vector<1x32xf32>, vector<32x32xf32>, vector<1x32xf32> -> vector<1x32xf32>
    %convert_element_type3A_50 = arith.fptosi %dot_general3A_49 : vector<1x32xf32> to vector<1x32xi32>
    %sub3A = arith.constant 1 : i32
    %sub3A_51 = vector.broadcast %sub3A : i32 to vector<1x32xi32>
    %sub3A_52 = arith.subi %convert_element_type3A_50, %sub3A_51 : vector<1x32xi32>
    %eq3A = vector.broadcast %sub3A_52 : vector<1x32xi32> to vector<32x32xi32>
    %eq3A_53 = arith.cmpi eq, %iota3A_26, %eq3A : vector<32x32xi32>
    %gt3A_54 = arith.constant 5.000000e-01 : f32
    %gt3A_55 = vector.broadcast %gt3A_54 : f32 to vector<1x32xf32>
    %gt3A_56 = arith.cmpf ogt, %convert_element_type3A_39, %gt3A_55 : vector<1x32xf32>
    %and3A = vector.broadcast %gt3A_56 : vector<1x32xi1> to vector<32x32xi1>
    %and3A_57 = arith.andi %eq3A_53, %and3A : vector<32x32xi1>
    %convert_element_type3A_58 = arith.extui %and3A_57 : vector<32x32xi1> to vector<32x32xi32>
    %convert_element_type3A_59 = arith.sitofp %convert_element_type3A_58 : vector<32x32xi32> to vector<32x32xf32>
    %dot_general3A_60 = arith.constant dense<0.000000e+00> : vector<32x64xf32>
    %dot_general3A_61 = tpu.matmul %convert_element_type3A_59, %add3A_47, %dot_general3A_60 {dimension_numbers = #tpu.dot_dimension_numbers<[1], [1], [0], [0], [0, 0, 1, 0], [], []>, precision = #tpu.contract_precision<fp32>, transpose_lhs_hint = false} : vector<32x32xf32>, vector<64x32xf32>, vector<32x64xf32> -> vector<32x64xf32>
    %swap3A = arith.constant 0 : index
    %swap3A_62 = arith.constant 0 : index
    %swap3A_63 = arith.constant 0 : index
    %swap3A_64 = vector.load %arg7[%swap3A, %swap3A_62, %swap3A_63] : memref<2x32x64xf32, #tpu.memory_space<vmem>>, vector<1x32x64xf32>
    %swap3A_65 = vector.shape_cast %swap3A_64 : vector<1x32x64xf32> to vector<32x64xf32>
    %swap3A_66 = vector.shape_cast %dot_general3A_61 : vector<32x64xf32> to vector<1x32x64xf32>
    tpu.vector_store %arg7[%swap3A, %swap3A_62, %swap3A_63], %swap3A_66 {strides = array<i32>} : memref<2x32x64xf32, #tpu.memory_space<vmem>>, vector<1x32x64xf32>,
    %get3A_67 = arith.constant 1 : index
    %get3A_68 = arith.constant 0 : index
    %get3A_69 = arith.constant 0 : index
    %get3A_70 = vector.load %arg0[%get3A_67, %get3A_68, %get3A_69] : memref<2x64x32xf32, #tpu.memory_space<vmem>>, vector<1x64x32xf32>
    %get3A_71 = vector.shape_cast %get3A_70 : vector<1x64x32xf32> to vector<64x32xf32>
    %get3A_72 = arith.constant 16 : index
    %get3A_73 = arith.constant 0 : index
    %get3A_74 = vector.load %arg1[%get3A_72, %get3A_73] : memref<32x32xf32, #tpu.memory_space<vmem>>, vector<16x32xf32>
    %reduce_sum3A_75 = arith.constant dense<0.000000e+00> : vector<32xf32>
    %reduce_sum3A_76 = vector.multi_reduction <add>, %get3A_74, %reduce_sum3A_75 [0] : vector<16x32xf32> to vector<32xf32>
    %broadcast_in_dim3A_77 = vector.shape_cast %reduce_sum3A_76 : vector<32xf32> to vector<1x32xf32>
    %gt3A_78 = arith.constant 5.000000e-01 : f32
    %gt3A_79 = vector.broadcast %gt3A_78 : f32 to vector<1x32xf32>
    %gt3A_80 = arith.cmpf ogt, %broadcast_in_dim3A_77, %gt3A_79 : vector<1x32xf32>
    %convert_element_type3A_81 = arith.extui %gt3A_80 : vector<1x32xi1> to vector<1x32xi32>
    %convert_element_type3A_82 = arith.sitofp %convert_element_type3A_81 : vector<1x32xi32> to vector<1x32xf32>
    %max3A_83 = arith.constant 1.000000e+00 : f32
    %max3A_84 = vector.broadcast %max3A_83 : f32 to vector<1x32xf32>
    %max3A_85 = arith.maximumf %broadcast_in_dim3A_77, %max3A_84 : vector<1x32xf32>
    %div3A_86 = arith.constant 1.000000e+00 : f32
    %div3A_87 = vector.broadcast %div3A_86 : f32 to vector<1x32xf32>
    %div3A_88 = arith.divf %div3A_87, %max3A_85 : vector<1x32xf32>
    %dot_general3A_89 = arith.constant dense<0.000000e+00> : vector<64x32xf32>
    %dot_general3A_90 = tpu.matmul %dot_general3A_16, %get3A_71, %dot_general3A_89 {dimension_numbers = #tpu.dot_dimension_numbers<[0], [0], [1], [1], [0, 1, 1, 1], [], []>, precision = #tpu.contract_precision<fp32>, transpose_lhs_hint = false} : vector<64x64xf32>, vector<64x32xf32>, vector<64x32xf32> -> vector<64x32xf32>
    %mul3A_91 = vector.broadcast %div3A_88 : vector<1x32xf32> to vector<64x32xf32>
    %mul3A_92 = arith.mulf %dot_general3A_90, %mul3A_91 : vector<64x32xf32>
    %add3A_93 = arith.addf %mul3A_92, %add3A_23 : vector<64x32xf32>
    %dot_general3A_94 = arith.constant dense<0.000000e+00> : vector<1x32xf32>
    %dot_general3A_95 = tpu.matmul %convert_element_type3A_82, %convert_element_type3A_25, %dot_general3A_94 {dimension_numbers = #tpu.dot_dimension_numbers<[1], [0], [0], [1], [0, 0, 1, 1], [], []>, precision = #tpu.contract_precision<fp32>, transpose_lhs_hint = false} : vector<1x32xf32>, vector<32x32xf32>, vector<1x32xf32> -> vector<1x32xf32>
    %convert_element_type3A_96 = arith.fptosi %dot_general3A_95 : vector<1x32xf32> to vector<1x32xi32>
    %sub3A_97 = arith.constant 1 : i32
    %sub3A_98 = vector.broadcast %sub3A_97 : i32 to vector<1x32xi32>
    %sub3A_99 = arith.subi %convert_element_type3A_96, %sub3A_98 : vector<1x32xi32>
    %eq3A_100 = vector.broadcast %sub3A_99 : vector<1x32xi32> to vector<32x32xi32>
    %eq3A_101 = arith.cmpi eq, %iota3A_26, %eq3A_100 : vector<32x32xi32>
    %gt3A_102 = arith.constant 5.000000e-01 : f32
    %gt3A_103 = vector.broadcast %gt3A_102 : f32 to vector<1x32xf32>
    %gt3A_104 = arith.cmpf ogt, %convert_element_type3A_82, %gt3A_103 : vector<1x32xf32>
    %and3A_105 = vector.broadcast %gt3A_104 : vector<1x32xi1> to vector<32x32xi1>
    %and3A_106 = arith.andi %eq3A_101, %and3A_105 : vector<32x32xi1>
    %convert_element_type3A_107 = arith.extui %and3A_106 : vector<32x32xi1> to vector<32x32xi32>
    %convert_element_type3A_108 = arith.sitofp %convert_element_type3A_107 : vector<32x32xi32> to vector<32x32xf32>
    %dot_general3A_109 = arith.constant dense<0.000000e+00> : vector<32x64xf32>
    %dot_general3A_110 = tpu.matmul %convert_element_type3A_108, %add3A_93, %dot_general3A_109 {dimension_numbers = #tpu.dot_dimension_numbers<[1], [1], [0], [0], [0, 0, 1, 0], [], []>, precision = #tpu.contract_precision<fp32>, transpose_lhs_hint = false} : vector<32x32xf32>, vector<64x32xf32>, vector<32x64xf32> -> vector<32x64xf32>
    %swap3A_111 = arith.constant 1 : index
    %swap3A_112 = arith.constant 0 : index
    %swap3A_113 = arith.constant 0 : index
    %swap3A_114 = vector.load %arg7[%swap3A_111, %swap3A_112, %swap3A_113] : memref<2x32x64xf32, #tpu.memory_space<vmem>>, vector<1x32x64xf32>
    %swap3A_115 = vector.shape_cast %swap3A_114 : vector<1x32x64xf32> to vector<32x64xf32>
    %swap3A_116 = vector.shape_cast %dot_general3A_110 : vector<32x64xf32> to vector<1x32x64xf32>
    tpu.vector_store %arg7[%swap3A_111, %swap3A_112, %swap3A_113], %swap3A_116 {strides = array<i32>} : memref<2x32x64xf32, #tpu.memory_space<vmem>>, vector<1x32x64xf32>,
    return
  }
}

</mosaic_0001>

<sc_bundles>
// kernel: kernel.5.cloned.1.call-start
scs
__scs_entry_jumppad:
0x0: {  	(pc) =	sbr.rel $0x88, $3  }
0x1: {  	(tag) =	ssettag $0x0;
	lr =	simm.s32 $0x1  }
0x2: {  	[smem:$0x3F98] =	sst lr;
	_ =	strace $0xD0000000  }
0x3: {  	_ = 	snop  }
0x4: {  	_ = 	snop  }
0x5: {  	_ = 	snop  }
0x6: {  	_ = 	snop  }
0x7: {  	_ = 	snop  }
__scs_overlays_trampoline_lowered:
0x8: {  	[smem:$0x3FA7] =	sst s0  }
0x9: {  	[smem:$0x3FA8] =	sst s1  }
0xa: {  	[smem:$0x3FA9] =	sst s2  }
0xb: {  	[smem:$0x3FAA] =	sst s3  }
0xc: {  	[smem:$0x3FAB] =	sst s4  }
0xd: {  	[smem:$0x3FAC] =	sst s5  }
0xe: {  	[smem:$0x3FAD] =	sst s6  }
0xf: {  	[smem:$0x3FAE] =	sst s7  }
0x10: {  	[smem:$0x3FAF] =	sst s8  }
0x11: {  	[smem:$0x3FB0] =	sst s9;
	s0 =	simm.s32 @!p0 $0x0  }
0x12: {  	s1 =	sld [smem:$0x3F96];
	s0 =	simm.s32 @p0 $0x1  }
0x13: {  	[smem:$0x3FB1] =	sst s0;
	s0 =	simm.s32 @!p1 $0x0  }
0x14: {  	s2 =	sld [smem:$0x3F95];
	s0 =	simm.s32 @p1 $0x1  }
0x15: {  	[smem:$0x3FB2] =	sst s0;
	s0 =	simm.s32 @!p2 $0x0  }
0x16: {  	s3 =	sld [smem:$0x3FDB];
	s0 =	simm.s32 @p2 $0x1  }
0x17: {  	s4 =	simm.s32 $0x1BF5;
	[smem:$0x3FB4] =	sst s0  }
0x18: {  	s0 =	sld [smem:$0x3F97];
	_ =	swait.ge [sflag:s4], $0x0  }
0x19: {  	s7 =	sld [smem:$0x3F98]  }
0x1a: {  	s8 =	sadd.s32 $0xFFFFE003, lr  }
0x1b: {  	s9 =	sadd.s32 $0xFFFFFEF7, lr;
	s5 =	simm.s32 $0xFFFFFFFF;
	p2 =	slt.u32 s8, $0xFFFFF086  }
0x1c: {  	p1 =	slt.u32 s9, $0xF7A;
	s5 =	simm.s32 @!p2 $0x0  }
0x1d: {  	s5 =	simm.s32 @p1 $0x1;
	p0 =	seq.s32 s7, s2  }
0x1e: {  	s7 =	smul.u32 @!p0 $0xF7A, s2;
	p2 =	seq.s32 @!p0 s5, $0x0  }
0x1f: {  	s9 =	smul.u32 $0xF7A, s1;
	s8 =	simm.s32 @!p0 $0x1BF5;
	p2 =	por !p2, p0  }
0x20: {  	[sflag:s8] =	ssyncset.s32 @!p0 $0xFFFFF086;
	s6 =	sadd.s32 @!p0 s3, s7;
	s7 =	simm.s32 @!p0 $0x108  }
0x21: {  	s3 =	sadd.s32 s3, s9;
	s6 =	sadd.s32 @!p0 $0x88, s6;
	s7 =	simm.s32 @p2 $0x1082  }
0x22: {  	[simem:s7], [sflag:s8] =	dma.local @!p0 [hbm:s6], $0xF7A  }
0x23: {  	s9 =	sor.u32 $0xD0000000, s2;
	s6 =	simm.s32 $0x108;
	_ =	swait.ge @!p0 [sflag:s8], $0x0  }
0x24: {  	s3 =	sadd.s32 $0x88, s3;
	s6 =	simm.s32 @!p1 $0x1082;
	[sflag:s4] =	ssyncset.s32 $0xFFFFF086  }
0x25: {  	[simem:s6], [sflag:s4] =	dma.local [hbm:s3], $0xF7A  }
0x26: {  	[smem:$0x3F98] =	sst s1;
	(tag) =	ssettag s2;
	_ =	strace s9  }
0x27: {  	s1 =	sld [smem:$0x3FA8]  }
0x28: {  	s2 =	sld [smem:$0x3FA9]  }
0x29: {  	s4 =	sld [smem:$0x3FAB]  }
0x2a: {  	p0 =	seq.s32 s5, $0x0;
	s5 =	sld [smem:$0x3FAC]  }
0x2b: {  	s6 =	sld [smem:$0x3FAD]  }
0x2c: {  	s7 =	sld [smem:$0x3FAE]  }
0x2d: {  	s3 =	simm.s32 $0x108;
	s8 =	sld [smem:$0x3FAF]  }
0x2e: {  	s3 =	simm.s32 @!p0 $0x1082;
	s9 =	sld [smem:$0x3FB0]  }
0x2f: {  	lr =	sadd.s32 s0, s3;
	s0 =	sld [smem:$0x3FA7]  }
0x30: {  	s3 =	sld [smem:$0x3FAA]  }
0x31: {  	[smem:$0x3FB3] =	sst s10  }
0x32: {  	s10 =	sld [smem:$0x3FB1];
	_ =	sdelay $0x3  }
0x33: {  	p0 =	seq.s32 s10, $0x1;
	s10 =	sld [smem:$0x3FB3];
	_ =	sdelay $0x3  }
0x34: {  	[smem:$0x3FB3] =	sst s10  }
0x35: {  	s10 =	sld [smem:$0x3FB2];
	_ =	sdelay $0x3  }
0x36: {  	p1 =	seq.s32 s10, $0x1;
	s10 =	sld [smem:$0x3FB3];
	_ =	sdelay $0x3  }
0x37: {  	[smem:$0x3FB3] =	sst s10  }
0x38: {  	s10 =	sld [smem:$0x3FB4]  }
0x39: {  	_ = 	snop;
	(pc) =	sbr.ind lr, $3  }
0x3a: {  	_ = 	snop  }
0x3b: {  	_ = 	snop  }
0x3c: {  	p2 =	seq.s32 s10, $0x1;
	s10 =	sld [smem:$0x3FB3]  }
0x3d: {  	_ =	shalt  }
0x3e: {  	_ =	shalt  }
0x3f: {  	_ =	shalt  }
0x40: {  	_ =	shalt  }
0x41: {  	_ =	shalt  }
0x42: {  	_ =	shalt  }
0x43: {  	_ =	shalt  }
0x44: {  	_ =	shalt  }
0x45: {  	_ =	shalt  }
0x46: {  	_ =	shalt  }
0x47: {  	_ =	shalt  }
0x48: {  	_ =	shalt  }
0x49: {  	_ =	shalt  }
0x4a: {  	_ =	shalt  }
0x4b: {  	_ =	shalt  }
0x4c: {  	_ =	shalt  }
0x4d: {  	_ =	shalt  }
0x4e: {  	_ =	shalt  }
0x4f: {  	_ =	shalt  }
0x50: {  	_ =	shalt  }
0x51: {  	_ =	shalt  }
0x52: {  	_ =	shalt  }
0x53: {  	_ =	shalt  }
0x54: {  	_ =	shalt  }
0x55: {  	_ =	shalt  }
0x56: {  	_ =	shalt  }
0x57: {  	_ =	shalt  }
0x58: {  	_ =	shalt  }
0x59: {  	_ =	shalt  }
0x5a: {  	_ =	shalt  }
0x5b: {  	_ =	shalt  }
0x5c: {  	_ =	shalt  }
0x5d: {  	_ =	shalt  }
0x5e: {  	_ =	shalt  }
0x5f: {  	_ =	shalt  }
0x60: {  	_ =	shalt  }
0x61: {  	_ =	shalt  }
0x62: {  	_ =	shalt  }
0x63: {  	_ =	shalt  }
0x64: {  	_ =	shalt  }
0x65: {  	_ =	shalt  }
0x66: {  	_ =	shalt  }
0x67: {  	_ =	shalt  }
0x68: {  	_ =	shalt  }
0x69: {  	_ =	shalt  }
0x6a: {  	_ =	shalt  }
0x6b: {  	_ =	shalt  }
0x6c: {  	_ =	shalt  }
0x6d: {  	_ =	shalt  }
0x6e: {  	_ =	shalt  }
0x6f: {  	_ =	shalt  }
0x70: {  	_ =	shalt  }
0x71: {  	_ =	shalt  }
0x72: {  	_ =	shalt  }
0x73: {  	_ =	shalt  }
0x74: {  	_ =	shalt  }
0x75: {  	_ =	shalt  }
0x76: {  	_ =	shalt  }
0x77: {  	_ =	shalt  }
0x78: {  	_ =	shalt  }
0x79: {  	_ =	shalt  }
0x7a: {  	_ =	shalt  }
0x7b: {  	_ =	shalt  }
0x7c: {  	_ =	shalt  }
0x7d: {  	_ =	shalt  }
0x7e: {  	_ =	shalt  }
0x7f: {  	_ =	shalt  }
0x80: {  	_ =	shalt  }
0x81: {  	_ =	shalt  }
0x82: {  	_ =	shalt  }
0x83: {  	_ =	shalt  }
0x84: {  	_ =	shalt  }
0x85: {  	_ =	shalt  }
0x86: {  	_ =	shalt  }
0x87: {  	_ =	shalt  }
.Lfunc_end0:
.L_simem_size_0:
called_computation_lowered:
.L_overlay_start_0:
0x88: {  	s2 =	sld [smem:$0x3FD9]  }
0x89: {  	s3 =	sld [smem:$0x3FFE];
	_ =	sdelay $0x1  }
0x8a: {  	s1 =	srdreg.scid  }
0x8b: {  	s0 =	sand.u32 $0x1, s1  }
0x8c: {  	s17 =	sshll.u32 s0, $0xA;
	s2 =	sadd.s32 s3, s2  }
0x8d: {  	s2 =	sadd.s32 s2, s17  }
0x8e: {  	[smem:$0x3FBF] =	sst s2  }
0x8f: {  	_ = 	snop  }
0x90: {  	s2 =	sld [smem:$0x3FD0];
	(tm) =	ssettm $0x1  }
0x91: {  	s18 =	sld [smem:$0x3FFB];
	_ =	sdelay $0x3  }
0x92: {  	_ =	strace s18  }
0x93: {  	s3 =	sld [smem:$0x3FFC];
	_ =	sdelay $0x3  }
0x94: {  	_ =	strace s3  }
0x95: {  	s3 =	sld [smem:$0x3FFD];
	_ =	sdelay $0x3  }
0x96: {  	_ =	strace s3  }
0x97: {  	_ =	strace $0x8FFFFFFF  }
0x98: {  	s19 =	sld [smem:$0x3FDB];
	_ =	sdelay $0x1  }
0x99: {  	s4 =	simm.s32 $_scs_section_size  }
0x9a: {  	s5 =	simm.s32 $_size__tile_overlayer_lowered;
	s6 =	simm.s32 $_tile_overlayer_lowered  }
0x9b: {  	s22 =	simm.s32 $0x1BFF;
	s21 =	sshll.u32 s6, $0x1;
	s3 =	sadd.s32 s4, s19  }
0x9c: {  	s7 =	simm.s32 $0x0;
	s20 =	sshll.u32 s5, $0x1;
	s5 =	sadd.s32 s21, s3  }
0x9d: {  	[timem:s7], [sflag:s22] =	dma.local [hbm:s5], s20  }
0x9e: {  	_ =	swait.ge [sflag:s22], s20  }
0x9f: {  	s4 =	ssub.s32 $0x0, s20;
	[sflag:s22] =	ssyncset.done $0x0  }
0xa0: {  	[sflag:s22] =	ssyncadd.s32 s4;
	_ =	sdelay $0x1  }
0xa1: {  	s23 =	simm.s32 $0x1B8B  }
0xa2: {  	_ =	swait.ge [sflag:s23], $0x1  }
0xa3: {  	[sflag:s23] =	ssyncset.done $0x0  }
0xa4: {  	s25 =	simm.s32 $0x1B8E;
	s24 =	sld [smem:$0x3FFE];
	[sflag:s23] =	ssyncadd.s32 $0xFFFFFFFF  }
0xa5: {  	s26 =	simm.s32 $execute0_lowered;
	[smem:$0x3FD2] =	sst s25  }
0xa6: {  	s5 =	sshll.u32 s26, $0x1;
	_ =	strace $0x80000046;
	[dreg:$0x1] =	wrdreg $0xFFFFFFFF  }
0xa7: {  	s28 =	simm.s32 $_size_execute0_lowered;
	s3 =	sadd.s32 s3, s5;
	[dreg:$0x0] =	wrdreg $0x0  }
0xa8: {  	s5 =	sshll.u32 s28, $0x1;
	[dreg:$0x2] =	wrdreg s3  }
0xa9: {  	[dreg:$0x3] =	wrdreg s5  }
0xaa: {  	[dreg:$0x4] =	wrdreg $0xC0  }
0xab: {  	_ =	task [dreg:s7], $0x5FFFF  }
0xac: {  	[dreg:$0x1] =	wrdreg $0xFFFFFFFF  }
0xad: {  	[dreg:$0x0] =	wrdreg $0x60  }
0xae: {  	[dreg:$0x2] =	wrdreg s24  }
0xaf: {  	[dreg:$0x3] =	wrdreg s2  }
0xb0: {  	[dreg:$0x4] =	wrdreg $0x9  }
0xb1: {  	_ =	task.clear_ibuf [dreg:s7], $0x5FFFF;
	_ =	strace $0x90000046  }
0xb2: {  	s29 =	simm.s32 $0x9;
	_ =	strace $0x80000048  }
0xb3: {  	_ =	swait.ge [sflag:s29], $0x1  }
0xb4: {  	[sflag:s29] =	ssyncadd.s32 $0xFFFFFFFF  }
0xb5: {  	_ =	strace $0x90000048  }
0xb6: {  	_ =	sfence  }
0xb7: {  	s30 =	sld [smem:$0x0];
	_ =	sdelay $0x2  }
0xb8: {  	s31 =	sshll.u32 s1, $0xD;
	s1 =	sshrl.u32 s1, $0x2  }
0xb9: {  	s3 =	sand.u32 $0x4000, s31;
	s1 =	sadd.s32 s1, s30  }
0xba: {  	s0 =	sor.u32 s3, s0;
	s1 =	sshll.u32 s1, $0x11  }
0xbb: {  	s0 =	sor.u32 s1, s0  }
0xbc: {  	s0 =	sadd.s32 $0x8F2B, s0  }
0xbd: {  	[sflag:s0] =	ssyncadd.remote.s32 $0x1  }
0xbe: {  	_ =	sfence.sel $0xFFFF  }
0xbf: {  	[dreg:$0x0] =	wrdreg $0xFFFFFFFF;
	(pc) =	sbr.abs _section_cstart, $3  }
0xc0: {  	[dreg:$0x1] =	wrdreg $0xFFFFFFFF  }
0xc1: {  	_ =	task.clear_ibuf [dreg:s7], $0x2FFFF;
	_ =	strace $0x9FFFFFFF  }
0xc2: {  	(tm) =	ssettm $0x7FFFFFFF  }
0xc3: {  	_ =	shalt  }
tec
execute0_lowered:
.L_overlay_start_1:
0x0: {  	(tag) =	ssettag $0x1  }
0x1: {  	s3 =	rddreg [dreg:$0x0]  }
0x2: {  	s4 =	rddreg [dreg:$0x1]  }
0x3: {  	s0 =	rddreg [dreg:$0x2]  }
0x4: {  	s5 =	srdreg.scid;
	s1 =	stileid.u32  }
0x5: {  	s2 =	simm.s32 $0x0;
	s5 =	sand.u32 $0x1, s5;
	s6 =	sshll.u32 s1, $0x1  }
0x6: {  	[smem:$0x7FF] =	sst s2;
	s6 =	sor.u32 s5, s6;
	s5 =	ssub.s32 $0x2, s5  }
0x7: {  	_ =	strace $0x80000047;
	s7 =	sshll.u32 s6, $0xB;
	s8 =	sshrl.u32 s5, $0x1  }
0x8: {  	s6 =	sshll.u32 s6, $0x4;
	s3 =	sadd.s32 s7, s3;
	s5 =	ssub.s32 s5, s8  }
0x9: {  	s4 =	sadd.s32 s4, s6;
	s6 =	simm.s32 $0x1;
	s7 =	simm.s32 $0x4000  }
0xa: {  	v0 =	vimm.f32 $0.0e+00;
	v1 =	vimm.f32 $1.000000000e+00;
	s8 =	simm.s32 $0x0;
	s3 =	sadd.s32 $0x1600, s3;
	s5 =	smax.u32 s5, $0x1  }
.LBB2_1:
0xb: {  	[tilespmem:s2], [sflag:$0x1] =	stream.linear.gather [hbm4b:s3+s2], $0x4000, $0x38;
	[tilespmem:$0x4080] =	vst v63  }
0xc: {  	_ =	swait.ge [sflag:s6], $0x4000  }
0xd: {  	[sflag:s6] =	ssyncset.done $0x0  }
0xe: {  	[sflag:s6] =	ssyncadd.s32 $0xFFFFC000  }
0xf: {  	[tilespmem:$0x4000] =	vst v0  }
0x10: {  	s9 =	simm.s32 $0xFFFFFFF8;
	s10 =	simm.s32 $0x40;
	[tilespmem:$0x4010] =	vst v0  }
.LBB2_2:
0x11: {  	v2 =	vld [tilespmem:s10+$0xFFFFFFC0];
	_ =	sdelay $0x7  }
0x12: {  	[tilespmem:v2+s7+$0x0] =	vst.idx.add.f32.msk $0xffff, v1  }
0x13: {  	v2 =	vld [tilespmem:s10+$0xFFFFFFD0];
	_ =	sdelay $0x7  }
0x14: {  	[tilespmem:v2+s7+$0x0] =	vst.idx.add.f32.msk $0xffff, v1  }
0x15: {  	v2 =	vld [tilespmem:s10+$0xFFFFFFE0];
	_ =	sdelay $0x7  }
0x16: {  	[tilespmem:v2+s7+$0x0] =	vst.idx.add.f32.msk $0xffff, v1  }
0x17: {  	v2 =	vld [tilespmem:s10+$0xFFFFFFF0];
	_ =	sdelay $0x7  }
0x18: {  	[tilespmem:v2+s7+$0x0] =	vst.idx.add.f32.msk $0xffff, v1  }
0x19: {  	v2 =	vld [tilespmem:s10+$0x0];
	_ =	sdelay $0x7  }
0x1a: {  	[tilespmem:v2+s7+$0x0] =	vst.idx.add.f32.msk $0xffff, v1  }
0x1b: {  	v2 =	vld [tilespmem:s10+$0x10];
	_ =	sdelay $0x7  }
0x1c: {  	[tilespmem:v2+s7+$0x0] =	vst.idx.add.f32.msk $0xffff, v1  }
0x1d: {  	v2 =	vld [tilespmem:s10+$0x20];
	_ =	sdelay $0x7  }
0x1e: {  	[tilespmem:v2+s7+$0x0] =	vst.idx.add.f32.msk $0xffff, v1  }
0x1f: {  	v2 =	vld [tilespmem:s10+$0x30];
	_ =	sdelay $0x1  }
0x20: {  	s9 =	sadd.s32 $0x8, s9  }
0x21: {  	p0 =	slt.u32 s9, $0x3F8  }
.Ltmp0:
0x22: {  	_ = 	snop;
	(pc) =	sbr.rel @p0 .LBB2_2-.Ltmp0, $2  }
0x23: {  	_ =	sdelay $0x2  }
0x24: {  	s10 =	sadd.s32 $0x80, s10;
	[tilespmem:v2+s7+$0x0] =	vst.idx.add.f32.msk $0xffff, v1  }
0x25: {  	s8 =	sadd.s32 $0x1, s8  }
0x26: {  	p0 =	sne.s32 s8, s5  }
.Ltmp1:
0x27: {  	_ = 	snop;
	(pc) =	sbr.rel @p0 .LBB2_1-.Ltmp1, $4  }
0x28: {  	[hbm4b:s4+s2] =	stream.linear.scatter [tilespmem:s7], [sflag:$0x1], $0x80, $0x38;
	[tilespmem:$0x4080] =	vst v63  }
0x29: {  	_ =	swait.ge [sflag:s6], $0x80  }
0x2a: {  	[sflag:s6] =	ssyncset.done $0x0  }
0x2b: {  	[sflag:s6] =	ssyncadd.s32 $0xFFFFFF80  }
0x2c: {  	_ =	sfence.sel $0x180000  }
0x2d: {  	[bflag:$0x0] =	sbarrier.arrive $0xFFFF  }
0x2e: {  	p0 =	sne.s32 s1, $0x0;
	_ =	strace $0x90000047  }
0x2f: {  	s0 =	sadd.s32 @!p0 $0x100000, s0;
	[bflag:$0x2] =	sbarrier.arrive $0xFFFF  }
0x30: {  	[sflag:s0] =	ssyncadd.tile.s32 @!p0 $0x1;
	_ =	shalt  }
.Lfunc_end2:
_tile_overlayer_lowered:
.L_overlay_start_2:
0x31: {  	(tag) =	ssettag $0x2  }
0x32: {  	s0 =	rddreg [dreg:$0x0];
	s2 =	stileid.u32  }
0x33: {  	s1 =	rddreg [dreg:$0x1];
	p0 =	sne.s32 s2, $0x0  }
0x34: {  	s3 =	rddreg [dreg:$0x2];
	[bflag:$0x3] =	sbarrier.arrive $0xFFFF;
	s2 =	simm.s32 @!p0 $0x1C01  }
0x35: {  	[timem:s3], [sflag:s2] =	dma.local @!p0 [hbm:s0], s1  }
0x36: {  	s0 =	simm.s32 @!p0 $0x1  }
0x37: {  	_ =	swait.ge @!p0 [sflag:s0], s1  }
0x38: {  	s1 =	ssub.s32 @!p0 $0x0, s1;
	[sflag:s0] =	ssyncset.done @!p0 $0x0  }
0x39: {  	[sflag:s0] =	ssyncadd.s32 @!p0 s1  }
0x3a: {  	[bflag:$0x3] =	sbarrier.arrive $0xFFFF  }
0x3b: {  	_ =	shalt  }

</sc_bundles>
